<compile_context>
chip_gen: v7x
topology: tpu7x:2x2x1
jax: 0.10.2.dev20260603
libtpu: 0.0.44.dev20260713+nightly
codegen_flags: <defaults>
</compile_context>

<pallas_src>
import functools

import jax
import jax.numpy as jnp
from jax import lax
from jax.experimental import pallas as pl
from jax.experimental.pallas import tpu as pltpu
from jax.experimental.pallas import tpu_sc as plsc

MAX_LEN = 8192
EMBED_DIM = 1024
SEQ_LEN = 4096

_NUM_WORKERS = 32
_ROWS_PER_WORKER = SEQ_LEN // _NUM_WORKERS

_CHUNKS = (16,) * 8
assert sum(_CHUNKS) == _ROWS_PER_WORKER
_MAXC = max(_CHUNKS)
_NCH = len(_CHUNKS)
_NBUF = 6
_OFFS = tuple(sum(_CHUNKS[:i]) for i in range(_NCH))

_mesh = plsc.VectorSubcoreMesh(core_axis_name="c", subcore_axis_name="s")


@functools.partial(
    pl.kernel,
    mesh=_mesh,
    out_type=jax.ShapeDtypeStruct((SEQ_LEN, EMBED_DIM), jnp.float32),
    scratch_types=(
        [pltpu.VMEM((_MAXC, EMBED_DIM), jnp.float32)] * _NBUF
        + [pltpu.SemaphoreType.DMA] * (2 * _NBUF)
    ),
)
def _copy_rows(table_hbm, out_hbm, *scratch):
    bufs = scratch[:_NBUF]
    sin = scratch[_NBUF : 2 * _NBUF]
    sout = scratch[2 * _NBUF :]
    wid = lax.axis_index("c") * 16 + lax.axis_index("s")
    base = wid * _ROWS_PER_WORKER

    def src(i):
        return table_hbm.at[pl.ds(base + _OFFS[i], _CHUNKS[i])]

    def dst(i):
        return out_hbm.at[pl.ds(base + _OFFS[i], _CHUNKS[i])]

    def buf(i):
        b = bufs[i % _NBUF]
        return b if _CHUNKS[i] == _MAXC else b.at[pl.ds(0, _CHUNKS[i])]

    in_c = [None] * _NCH
    out_c = [None] * _NCH
    for j in range(min(_NBUF, _NCH)):
        in_c[j] = pltpu.async_copy(src(j), buf(j), sin[j % _NBUF])
    for i in range(_NCH):
        b = i % _NBUF
        in_c[i].wait()
        out_c[i] = pltpu.async_copy(buf(i), dst(i), sout[b])
        j = i + _NBUF
        if j < _NCH:
            out_c[i].wait()
            in_c[j] = pltpu.async_copy(src(j), buf(j), sin[b])
    for i in range(max(0, _NCH - _NBUF), _NCH):
        out_c[i].wait()


def kernel(seq_len, table):
    del seq_len
    return _copy_rows(table)[None]

# --- scband reference (transcript-rebuilt; emitter-appended) ---
"""Pipeline reference for scband-positional-embedding-34565896798357 (READ-ONLY COPY).

The authoritative reference and input builder live on the scoring server;
editing this copy changes nothing except your own understanding.
"""

import jax, jax.numpy as jnp
import numpy as np

MAX_LEN = 8192
EMBED_DIM = 1024
SEQ_LEN = 4096

def setup_inputs(seed: int = 0) -> dict:
    key = jax.random.key(seed)
    k_table, = jax.random.split(key, 1)
    table = jax.random.normal(k_table, (MAX_LEN, EMBED_DIM), dtype=jnp.float32)
    return {"seq_len": SEQ_LEN, "table": table}

def reference(seq_len, table):
    positions = (jnp.arange(SEQ_LEN) + seq_len * 0)[None, :]  # [1, seq_len]
    out = jnp.take(table, positions, axis=0)  # [1, seq_len, embed_dim]
    return out

if __name__ == "__main__":
    import jax
    _d = setup_inputs()
    print(jax.jit(kernel)(*tuple(_d.values())))

</pallas_src>

<mosaic_0001>
#map = affine_map<(d0, d1) -> (0, 0)>
module attributes {stable_mosaic.version = 14 : i64} {
  func.func @_copy_rows(%arg0: i32, %arg1: i32, %arg2: memref<8192x1024xf32, #tpu.memory_space<hbm>>, %arg3: memref<4096x1024xf32, #tpu.memory_space<hbm>>, %arg4: memref<16x1024xf32, #tpu.memory_space<vmem>>, %arg5: memref<16x1024xf32, #tpu.memory_space<vmem>>, %arg6: memref<16x1024xf32, #tpu.memory_space<vmem>>, %arg7: memref<16x1024xf32, #tpu.memory_space<vmem>>, %arg8: memref<16x1024xf32, #tpu.memory_space<vmem>>, %arg9: memref<16x1024xf32, #tpu.memory_space<vmem>>, %arg10: memref<!tpu.dma_semaphore, #tpu.memory_space<semaphore_mem>>, %arg11: memref<!tpu.dma_semaphore, #tpu.memory_space<semaphore_mem>>, %arg12: memref<!tpu.dma_semaphore, #tpu.memory_space<semaphore_mem>>, %arg13: memref<!tpu.dma_semaphore, #tpu.memory_space<semaphore_mem>>, %arg14: memref<!tpu.dma_semaphore, #tpu.memory_space<semaphore_mem>>, %arg15: memref<!tpu.dma_semaphore, #tpu.memory_space<semaphore_mem>>, %arg16: memref<!tpu.dma_semaphore, #tpu.memory_space<semaphore_mem>>, %arg17: memref<!tpu.dma_semaphore, #tpu.memory_space<semaphore_mem>>, %arg18: memref<!tpu.dma_semaphore, #tpu.memory_space<semaphore_mem>>, %arg19: memref<!tpu.dma_semaphore, #tpu.memory_space<semaphore_mem>>, %arg20: memref<!tpu.dma_semaphore, #tpu.memory_space<semaphore_mem>>, %arg21: memref<!tpu.dma_semaphore, #tpu.memory_space<semaphore_mem>>) attributes {dimension_semantics = [#tpu.dimension_semantics<core_parallel>, #tpu.dimension_semantics<subcore_parallel>], iteration_bounds = array<i64: 2, 16>, scalar_prefetch = 0 : i64, scratch_operands = 18 : i64, tpu.core_type = #tpu.core_type<sc_vector_subcore>, window_params = [{transform_indices = #map}, {transform_indices = #map}]} {
    %mul3A = arith.constant 16 : i32
    %mul3A_0 = arith.muli %arg0, %mul3A : i32
    %add3A = arith.addi %mul3A_0, %arg1 : i32
    %mul3A_1 = arith.constant 128 : i32
    %mul3A_2 = arith.muli %add3A, %mul3A_1 : i32
    %add3A_3 = arith.constant 0 : i32
    %add3A_4 = arith.addi %mul3A_2, %add3A_3 : i32
    %dma_start3A = arith.constant 0 : i32
    %dma_start3A_5 = tpu.memref_slice %arg2[%add3A_4, %dma_start3A] : memref<8192x1024xf32, #tpu.memory_space<hbm>> -> memref<16x1024xf32, #tpu.memory_space<hbm>>
    %dma_start3A_6 = arith.constant 0 : i32
    %dma_start3A_7 = tpu.memref_slice %arg2[%add3A_4, %dma_start3A_6] : memref<8192x1024xf32, #tpu.memory_space<hbm>> -> memref<16x1024xf32, #tpu.memory_space<hbm>>
    tpu.enqueue_dma source(%dma_start3A_7 : memref<16x1024xf32, #tpu.memory_space<hbm>>) target(%arg4 : memref<16x1024xf32, #tpu.memory_space<vmem>>) target_semaphore(%arg10 : memref<!tpu.dma_semaphore, #tpu.memory_space<semaphore_mem>>)
    %add3A_8 = arith.constant 16 : i32
    %add3A_9 = arith.addi %mul3A_2, %add3A_8 : i32
    %dma_start3A_10 = arith.constant 0 : i32
    %dma_start3A_11 = tpu.memref_slice %arg2[%add3A_9, %dma_start3A_10] : memref<8192x1024xf32, #tpu.memory_space<hbm>> -> memref<16x1024xf32, #tpu.memory_space<hbm>>
    %dma_start3A_12 = arith.constant 0 : i32
    %dma_start3A_13 = tpu.memref_slice %arg2[%add3A_9, %dma_start3A_12] : memref<8192x1024xf32, #tpu.memory_space<hbm>> -> memref<16x1024xf32, #tpu.memory_space<hbm>>
    tpu.enqueue_dma source(%dma_start3A_13 : memref<16x1024xf32, #tpu.memory_space<hbm>>) target(%arg5 : memref<16x1024xf32, #tpu.memory_space<vmem>>) target_semaphore(%arg11 : memref<!tpu.dma_semaphore, #tpu.memory_space<semaphore_mem>>)
    %add3A_14 = arith.constant 32 : i32
    %add3A_15 = arith.addi %mul3A_2, %add3A_14 : i32
    %dma_start3A_16 = arith.constant 0 : i32
    %dma_start3A_17 = tpu.memref_slice %arg2[%add3A_15, %dma_start3A_16] : memref<8192x1024xf32, #tpu.memory_space<hbm>> -> memref<16x1024xf32, #tpu.memory_space<hbm>>
    %dma_start3A_18 = arith.constant 0 : i32
    %dma_start3A_19 = tpu.memref_slice %arg2[%add3A_15, %dma_start3A_18] : memref<8192x1024xf32, #tpu.memory_space<hbm>> -> memref<16x1024xf32, #tpu.memory_space<hbm>>
    tpu.enqueue_dma source(%dma_start3A_19 : memref<16x1024xf32, #tpu.memory_space<hbm>>) target(%arg6 : memref<16x1024xf32, #tpu.memory_space<vmem>>) target_semaphore(%arg12 : memref<!tpu.dma_semaphore, #tpu.memory_space<semaphore_mem>>)
    %add3A_20 = arith.constant 48 : i32
    %add3A_21 = arith.addi %mul3A_2, %add3A_20 : i32
    %dma_start3A_22 = arith.constant 0 : i32
    %dma_start3A_23 = tpu.memref_slice %arg2[%add3A_21, %dma_start3A_22] : memref<8192x1024xf32, #tpu.memory_space<hbm>> -> memref<16x1024xf32, #tpu.memory_space<hbm>>
    %dma_start3A_24 = arith.constant 0 : i32
    %dma_start3A_25 = tpu.memref_slice %arg2[%add3A_21, %dma_start3A_24] : memref<8192x1024xf32, #tpu.memory_space<hbm>> -> memref<16x1024xf32, #tpu.memory_space<hbm>>
    tpu.enqueue_dma source(%dma_start3A_25 : memref<16x1024xf32, #tpu.memory_space<hbm>>) target(%arg7 : memref<16x1024xf32, #tpu.memory_space<vmem>>) target_semaphore(%arg13 : memref<!tpu.dma_semaphore, #tpu.memory_space<semaphore_mem>>)
    %add3A_26 = arith.constant 64 : i32
    %add3A_27 = arith.addi %mul3A_2, %add3A_26 : i32
    %dma_start3A_28 = arith.constant 0 : i32
    %dma_start3A_29 = tpu.memref_slice %arg2[%add3A_27, %dma_start3A_28] : memref<8192x1024xf32, #tpu.memory_space<hbm>> -> memref<16x1024xf32, #tpu.memory_space<hbm>>
    %dma_start3A_30 = arith.constant 0 : i32
    %dma_start3A_31 = tpu.memref_slice %arg2[%add3A_27, %dma_start3A_30] : memref<8192x1024xf32, #tpu.memory_space<hbm>> -> memref<16x1024xf32, #tpu.memory_space<hbm>>
    tpu.enqueue_dma source(%dma_start3A_31 : memref<16x1024xf32, #tpu.memory_space<hbm>>) target(%arg8 : memref<16x1024xf32, #tpu.memory_space<vmem>>) target_semaphore(%arg14 : memref<!tpu.dma_semaphore, #tpu.memory_space<semaphore_mem>>)
    %add3A_32 = arith.constant 80 : i32
    %add3A_33 = arith.addi %mul3A_2, %add3A_32 : i32
    %dma_start3A_34 = arith.constant 0 : i32
    %dma_start3A_35 = tpu.memref_slice %arg2[%add3A_33, %dma_start3A_34] : memref<8192x1024xf32, #tpu.memory_space<hbm>> -> memref<16x1024xf32, #tpu.memory_space<hbm>>
    %dma_start3A_36 = arith.constant 0 : i32
    %dma_start3A_37 = tpu.memref_slice %arg2[%add3A_33, %dma_start3A_36] : memref<8192x1024xf32, #tpu.memory_space<hbm>> -> memref<16x1024xf32, #tpu.memory_space<hbm>>
    tpu.enqueue_dma source(%dma_start3A_37 : memref<16x1024xf32, #tpu.memory_space<hbm>>) target(%arg9 : memref<16x1024xf32, #tpu.memory_space<vmem>>) target_semaphore(%arg15 : memref<!tpu.dma_semaphore, #tpu.memory_space<semaphore_mem>>)
    %dma_wait3A = arith.constant 0 : i32
    %dma_wait3A_38 = tpu.memref_slice %arg2[%add3A_4, %dma_wait3A] : memref<8192x1024xf32, #tpu.memory_space<hbm>> -> memref<16x1024xf32, #tpu.memory_space<hbm>>
    %dma_wait3A_39 = arith.constant 0 : i32
    %dma_wait3A_40 = tpu.memref_slice %arg2[%add3A_4, %dma_wait3A_39] : memref<8192x1024xf32, #tpu.memory_space<hbm>> -> memref<16x1024xf32, #tpu.memory_space<hbm>>
    tpu.wait_dma2 semaphore(%arg10 : memref<!tpu.dma_semaphore, #tpu.memory_space<semaphore_mem>>) src(%dma_wait3A_40 : memref<16x1024xf32, #tpu.memory_space<hbm>>) dst(%arg4 : memref<16x1024xf32, #tpu.memory_space<vmem>>)
    %add3A_41 = arith.constant 0 : i32
    %add3A_42 = arith.addi %mul3A_2, %add3A_41 : i32
    %dma_start3A_43 = arith.constant 0 : i32
    %dma_start3A_44 = tpu.memref_slice %arg3[%add3A_42, %dma_start3A_43] : memref<4096x1024xf32, #tpu.memory_space<hbm>> -> memref<16x1024xf32, #tpu.memory_space<hbm>>
    %dma_start3A_45 = arith.constant 0 : i32
    %dma_start3A_46 = tpu.memref_slice %arg3[%add3A_42, %dma_start3A_45] : memref<4096x1024xf32, #tpu.memory_space<hbm>> -> memref<16x1024xf32, #tpu.memory_space<hbm>>
    tpu.enqueue_dma source(%arg4 : memref<16x1024xf32, #tpu.memory_space<vmem>>) target(%dma_start3A_46 : memref<16x1024xf32, #tpu.memory_space<hbm>>) target_semaphore(%arg16 : memref<!tpu.dma_semaphore, #tpu.memory_space<semaphore_mem>>)
    %dma_wait3A_47 = arith.constant 0 : i32
    %dma_wait3A_48 = tpu.memref_slice %arg3[%add3A_42, %dma_wait3A_47] : memref<4096x1024xf32, #tpu.memory_space<hbm>> -> memref<16x1024xf32, #tpu.memory_space<hbm>>
    %dma_wait3A_49 = arith.constant 0 : i32
    %dma_wait3A_50 = tpu.memref_slice %arg3[%add3A_42, %dma_wait3A_49] : memref<4096x1024xf32, #tpu.memory_space<hbm>> -> memref<16x1024xf32, #tpu.memory_space<hbm>>
    tpu.wait_dma2 semaphore(%arg16 : memref<!tpu.dma_semaphore, #tpu.memory_space<semaphore_mem>>) src(%arg4 : memref<16x1024xf32, #tpu.memory_space<vmem>>) dst(%dma_wait3A_50 : memref<16x1024xf32, #tpu.memory_space<hbm>>)
    %add3A_51 = arith.constant 96 : i32
    %add3A_52 = arith.addi %mul3A_2, %add3A_51 : i32
    %dma_start3A_53 = arith.constant 0 : i32
    %dma_start3A_54 = tpu.memref_slice %arg2[%add3A_52, %dma_start3A_53] : memref<8192x1024xf32, #tpu.memory_space<hbm>> -> memref<16x1024xf32, #tpu.memory_space<hbm>>
    %dma_start3A_55 = arith.constant 0 : i32
    %dma_start3A_56 = tpu.memref_slice %arg2[%add3A_52, %dma_start3A_55] : memref<8192x1024xf32, #tpu.memory_space<hbm>> -> memref<16x1024xf32, #tpu.memory_space<hbm>>
    tpu.enqueue_dma source(%dma_start3A_56 : memref<16x1024xf32, #tpu.memory_space<hbm>>) target(%arg4 : memref<16x1024xf32, #tpu.memory_space<vmem>>) target_semaphore(%arg10 : memref<!tpu.dma_semaphore, #tpu.memory_space<semaphore_mem>>)
    %dma_wait3A_57 = arith.constant 0 : i32
    %dma_wait3A_58 = tpu.memref_slice %arg2[%add3A_9, %dma_wait3A_57] : memref<8192x1024xf32, #tpu.memory_space<hbm>> -> memref<16x1024xf32, #tpu.memory_space<hbm>>
    %dma_wait3A_59 = arith.constant 0 : i32
    %dma_wait3A_60 = tpu.memref_slice %arg2[%add3A_9, %dma_wait3A_59] : memref<8192x1024xf32, #tpu.memory_space<hbm>> -> memref<16x1024xf32, #tpu.memory_space<hbm>>
    tpu.wait_dma2 semaphore(%arg11 : memref<!tpu.dma_semaphore, #tpu.memory_space<semaphore_mem>>) src(%dma_wait3A_60 : memref<16x1024xf32, #tpu.memory_space<hbm>>) dst(%arg5 : memref<16x1024xf32, #tpu.memory_space<vmem>>)
    %add3A_61 = arith.constant 16 : i32
    %add3A_62 = arith.addi %mul3A_2, %add3A_61 : i32
    %dma_start3A_63 = arith.constant 0 : i32
    %dma_start3A_64 = tpu.memref_slice %arg3[%add3A_62, %dma_start3A_63] : memref<4096x1024xf32, #tpu.memory_space<hbm>> -> memref<16x1024xf32, #tpu.memory_space<hbm>>
    %dma_start3A_65 = arith.constant 0 : i32
    %dma_start3A_66 = tpu.memref_slice %arg3[%add3A_62, %dma_start3A_65] : memref<4096x1024xf32, #tpu.memory_space<hbm>> -> memref<16x1024xf32, #tpu.memory_space<hbm>>
    tpu.enqueue_dma source(%arg5 : memref<16x1024xf32, #tpu.memory_space<vmem>>) target(%dma_start3A_66 : memref<16x1024xf32, #tpu.memory_space<hbm>>) target_semaphore(%arg17 : memref<!tpu.dma_semaphore, #tpu.memory_space<semaphore_mem>>)
    %dma_wait3A_67 = arith.constant 0 : i32
    %dma_wait3A_68 = tpu.memref_slice %arg3[%add3A_62, %dma_wait3A_67] : memref<4096x1024xf32, #tpu.memory_space<hbm>> -> memref<16x1024xf32, #tpu.memory_space<hbm>>
    %dma_wait3A_69 = arith.constant 0 : i32
    %dma_wait3A_70 = tpu.memref_slice %arg3[%add3A_62, %dma_wait3A_69] : memref<4096x1024xf32, #tpu.memory_space<hbm>> -> memref<16x1024xf32, #tpu.memory_space<hbm>>
    tpu.wait_dma2 semaphore(%arg17 : memref<!tpu.dma_semaphore, #tpu.memory_space<semaphore_mem>>) src(%arg5 : memref<16x1024xf32, #tpu.memory_space<vmem>>) dst(%dma_wait3A_70 : memref<16x1024xf32, #tpu.memory_space<hbm>>)
    %add3A_71 = arith.constant 112 : i32
    %add3A_72 = arith.addi %mul3A_2, %add3A_71 : i32
    %dma_start3A_73 = arith.constant 0 : i32
    %dma_start3A_74 = tpu.memref_slice %arg2[%add3A_72, %dma_start3A_73] : memref<8192x1024xf32, #tpu.memory_space<hbm>> -> memref<16x1024xf32, #tpu.memory_space<hbm>>
    %dma_start3A_75 = arith.constant 0 : i32
    %dma_start3A_76 = tpu.memref_slice %arg2[%add3A_72, %dma_start3A_75] : memref<8192x1024xf32, #tpu.memory_space<hbm>> -> memref<16x1024xf32, #tpu.memory_space<hbm>>
    tpu.enqueue_dma source(%dma_start3A_76 : memref<16x1024xf32, #tpu.memory_space<hbm>>) target(%arg5 : memref<16x1024xf32, #tpu.memory_space<vmem>>) target_semaphore(%arg11 : memref<!tpu.dma_semaphore, #tpu.memory_space<semaphore_mem>>)
    %dma_wait3A_77 = arith.constant 0 : i32
    %dma_wait3A_78 = tpu.memref_slice %arg2[%add3A_15, %dma_wait3A_77] : memref<8192x1024xf32, #tpu.memory_space<hbm>> -> memref<16x1024xf32, #tpu.memory_space<hbm>>
    %dma_wait3A_79 = arith.constant 0 : i32
    %dma_wait3A_80 = tpu.memref_slice %arg2[%add3A_15, %dma_wait3A_79] : memref<8192x1024xf32, #tpu.memory_space<hbm>> -> memref<16x1024xf32, #tpu.memory_space<hbm>>
    tpu.wait_dma2 semaphore(%arg12 : memref<!tpu.dma_semaphore, #tpu.memory_space<semaphore_mem>>) src(%dma_wait3A_80 : memref<16x1024xf32, #tpu.memory_space<hbm>>) dst(%arg6 : memref<16x1024xf32, #tpu.memory_space<vmem>>)
    %add3A_81 = arith.constant 32 : i32
    %add3A_82 = arith.addi %mul3A_2, %add3A_81 : i32
    %dma_start3A_83 = arith.constant 0 : i32
    %dma_start3A_84 = tpu.memref_slice %arg3[%add3A_82, %dma_start3A_83] : memref<4096x1024xf32, #tpu.memory_space<hbm>> -> memref<16x1024xf32, #tpu.memory_space<hbm>>
    %dma_start3A_85 = arith.constant 0 : i32
    %dma_start3A_86 = tpu.memref_slice %arg3[%add3A_82, %dma_start3A_85] : memref<4096x1024xf32, #tpu.memory_space<hbm>> -> memref<16x1024xf32, #tpu.memory_space<hbm>>
    tpu.enqueue_dma source(%arg6 : memref<16x1024xf32, #tpu.memory_space<vmem>>) target(%dma_start3A_86 : memref<16x1024xf32, #tpu.memory_space<hbm>>) target_semaphore(%arg18 : memref<!tpu.dma_semaphore, #tpu.memory_space<semaphore_mem>>)
    %dma_wait3A_87 = arith.constant 0 : i32
    %dma_wait3A_88 = tpu.memref_slice %arg2[%add3A_21, %dma_wait3A_87] : memref<8192x1024xf32, #tpu.memory_space<hbm>> -> memref<16x1024xf32, #tpu.memory_space<hbm>>
    %dma_wait3A_89 = arith.constant 0 : i32
    %dma_wait3A_90 = tpu.memref_slice %arg2[%add3A_21, %dma_wait3A_89] : memref<8192x1024xf32, #tpu.memory_space<hbm>> -> memref<16x1024xf32, #tpu.memory_space<hbm>>
    tpu.wait_dma2 semaphore(%arg13 : memref<!tpu.dma_semaphore, #tpu.memory_space<semaphore_mem>>) src(%dma_wait3A_90 : memref<16x1024xf32, #tpu.memory_space<hbm>>) dst(%arg7 : memref<16x1024xf32, #tpu.memory_space<vmem>>)
    %add3A_91 = arith.constant 48 : i32
    %add3A_92 = arith.addi %mul3A_2, %add3A_91 : i32
    %dma_start3A_93 = arith.constant 0 : i32
    %dma_start3A_94 = tpu.memref_slice %arg3[%add3A_92, %dma_start3A_93] : memref<4096x1024xf32, #tpu.memory_space<hbm>> -> memref<16x1024xf32, #tpu.memory_space<hbm>>
    %dma_start3A_95 = arith.constant 0 : i32
    %dma_start3A_96 = tpu.memref_slice %arg3[%add3A_92, %dma_start3A_95] : memref<4096x1024xf32, #tpu.memory_space<hbm>> -> memref<16x1024xf32, #tpu.memory_space<hbm>>
    tpu.enqueue_dma source(%arg7 : memref<16x1024xf32, #tpu.memory_space<vmem>>) target(%dma_start3A_96 : memref<16x1024xf32, #tpu.memory_space<hbm>>) target_semaphore(%arg19 : memref<!tpu.dma_semaphore, #tpu.memory_space<semaphore_mem>>)
    %dma_wait3A_97 = arith.constant 0 : i32
    %dma_wait3A_98 = tpu.memref_slice %arg2[%add3A_27, %dma_wait3A_97] : memref<8192x1024xf32, #tpu.memory_space<hbm>> -> memref<16x1024xf32, #tpu.memory_space<hbm>>
    %dma_wait3A_99 = arith.constant 0 : i32
    %dma_wait3A_100 = tpu.memref_slice %arg2[%add3A_27, %dma_wait3A_99] : memref<8192x1024xf32, #tpu.memory_space<hbm>> -> memref<16x1024xf32, #tpu.memory_space<hbm>>
    tpu.wait_dma2 semaphore(%arg14 : memref<!tpu.dma_semaphore, #tpu.memory_space<semaphore_mem>>) src(%dma_wait3A_100 : memref<16x1024xf32, #tpu.memory_space<hbm>>) dst(%arg8 : memref<16x1024xf32, #tpu.memory_space<vmem>>)
    %add3A_101 = arith.constant 64 : i32
    %add3A_102 = arith.addi %mul3A_2, %add3A_101 : i32
    %dma_start3A_103 = arith.constant 0 : i32
    %dma_start3A_104 = tpu.memref_slice %arg3[%add3A_102, %dma_start3A_103] : memref<4096x1024xf32, #tpu.memory_space<hbm>> -> memref<16x1024xf32, #tpu.memory_space<hbm>>
    %dma_start3A_105 = arith.constant 0 : i32
    %dma_start3A_106 = tpu.memref_slice %arg3[%add3A_102, %dma_start3A_105] : memref<4096x1024xf32, #tpu.memory_space<hbm>> -> memref<16x1024xf32, #tpu.memory_space<hbm>>
    tpu.enqueue_dma source(%arg8 : memref<16x1024xf32, #tpu.memory_space<vmem>>) target(%dma_start3A_106 : memref<16x1024xf32, #tpu.memory_space<hbm>>) target_semaphore(%arg20 : memref<!tpu.dma_semaphore, #tpu.memory_space<semaphore_mem>>)
    %dma_wait3A_107 = arith.constant 0 : i32
    %dma_wait3A_108 = tpu.memref_slice %arg2[%add3A_33, %dma_wait3A_107] : memref<8192x1024xf32, #tpu.memory_space<hbm>> -> memref<16x1024xf32, #tpu.memory_space<hbm>>
    %dma_wait3A_109 = arith.constant 0 : i32
    %dma_wait3A_110 = tpu.memref_slice %arg2[%add3A_33, %dma_wait3A_109] : memref<8192x1024xf32, #tpu.memory_space<hbm>> -> memref<16x1024xf32, #tpu.memory_space<hbm>>
    tpu.wait_dma2 semaphore(%arg15 : memref<!tpu.dma_semaphore, #tpu.memory_space<semaphore_mem>>) src(%dma_wait3A_110 : memref<16x1024xf32, #tpu.memory_space<hbm>>) dst(%arg9 : memref<16x1024xf32, #tpu.memory_space<vmem>>)
    %add3A_111 = arith.constant 80 : i32
    %add3A_112 = arith.addi %mul3A_2, %add3A_111 : i32
    %dma_start3A_113 = arith.constant 0 : i32
    %dma_start3A_114 = tpu.memref_slice %arg3[%add3A_112, %dma_start3A_113] : memref<4096x1024xf32, #tpu.memory_space<hbm>> -> memref<16x1024xf32, #tpu.memory_space<hbm>>
    %dma_start3A_115 = arith.constant 0 : i32
    %dma_start3A_116 = tpu.memref_slice %arg3[%add3A_112, %dma_start3A_115] : memref<4096x1024xf32, #tpu.memory_space<hbm>> -> memref<16x1024xf32, #tpu.memory_space<hbm>>
    tpu.enqueue_dma source(%arg9 : memref<16x1024xf32, #tpu.memory_space<vmem>>) target(%dma_start3A_116 : memref<16x1024xf32, #tpu.memory_space<hbm>>) target_semaphore(%arg21 : memref<!tpu.dma_semaphore, #tpu.memory_space<semaphore_mem>>)
    %dma_wait3A_117 = arith.constant 0 : i32
    %dma_wait3A_118 = tpu.memref_slice %arg2[%add3A_52, %dma_wait3A_117] : memref<8192x1024xf32, #tpu.memory_space<hbm>> -> memref<16x1024xf32, #tpu.memory_space<hbm>>
    %dma_wait3A_119 = arith.constant 0 : i32
    %dma_wait3A_120 = tpu.memref_slice %arg2[%add3A_52, %dma_wait3A_119] : memref<8192x1024xf32, #tpu.memory_space<hbm>> -> memref<16x1024xf32, #tpu.memory_space<hbm>>
    tpu.wait_dma2 semaphore(%arg10 : memref<!tpu.dma_semaphore, #tpu.memory_space<semaphore_mem>>) src(%dma_wait3A_120 : memref<16x1024xf32, #tpu.memory_space<hbm>>) dst(%arg4 : memref<16x1024xf32, #tpu.memory_space<vmem>>)
    %add3A_121 = arith.constant 96 : i32
    %add3A_122 = arith.addi %mul3A_2, %add3A_121 : i32
    %dma_start3A_123 = arith.constant 0 : i32
    %dma_start3A_124 = tpu.memref_slice %arg3[%add3A_122, %dma_start3A_123] : memref<4096x1024xf32, #tpu.memory_space<hbm>> -> memref<16x1024xf32, #tpu.memory_space<hbm>>
    %dma_start3A_125 = arith.constant 0 : i32
    %dma_start3A_126 = tpu.memref_slice %arg3[%add3A_122, %dma_start3A_125] : memref<4096x1024xf32, #tpu.memory_space<hbm>> -> memref<16x1024xf32, #tpu.memory_space<hbm>>
    tpu.enqueue_dma source(%arg4 : memref<16x1024xf32, #tpu.memory_space<vmem>>) target(%dma_start3A_126 : memref<16x1024xf32, #tpu.memory_space<hbm>>) target_semaphore(%arg16 : memref<!tpu.dma_semaphore, #tpu.memory_space<semaphore_mem>>)
    %dma_wait3A_127 = arith.constant 0 : i32
    %dma_wait3A_128 = tpu.memref_slice %arg2[%add3A_72, %dma_wait3A_127] : memref<8192x1024xf32, #tpu.memory_space<hbm>> -> memref<16x1024xf32, #tpu.memory_space<hbm>>
    %dma_wait3A_129 = arith.constant 0 : i32
    %dma_wait3A_130 = tpu.memref_slice %arg2[%add3A_72, %dma_wait3A_129] : memref<8192x1024xf32, #tpu.memory_space<hbm>> -> memref<16x1024xf32, #tpu.memory_space<hbm>>
    tpu.wait_dma2 semaphore(%arg11 : memref<!tpu.dma_semaphore, #tpu.memory_space<semaphore_mem>>) src(%dma_wait3A_130 : memref<16x1024xf32, #tpu.memory_space<hbm>>) dst(%arg5 : memref<16x1024xf32, #tpu.memory_space<vmem>>)
    %add3A_131 = arith.constant 112 : i32
    %add3A_132 = arith.addi %mul3A_2, %add3A_131 : i32
    %dma_start3A_133 = arith.constant 0 : i32
    %dma_start3A_134 = tpu.memref_slice %arg3[%add3A_132, %dma_start3A_133] : memref<4096x1024xf32, #tpu.memory_space<hbm>> -> memref<16x1024xf32, #tpu.memory_space<hbm>>
    %dma_start3A_135 = arith.constant 0 : i32
    %dma_start3A_136 = tpu.memref_slice %arg3[%add3A_132, %dma_start3A_135] : memref<4096x1024xf32, #tpu.memory_space<hbm>> -> memref<16x1024xf32, #tpu.memory_space<hbm>>
    tpu.enqueue_dma source(%arg5 : memref<16x1024xf32, #tpu.memory_space<vmem>>) target(%dma_start3A_136 : memref<16x1024xf32, #tpu.memory_space<hbm>>) target_semaphore(%arg17 : memref<!tpu.dma_semaphore, #tpu.memory_space<semaphore_mem>>)
    %dma_wait3A_137 = arith.constant 0 : i32
    %dma_wait3A_138 = tpu.memref_slice %arg3[%add3A_82, %dma_wait3A_137] : memref<4096x1024xf32, #tpu.memory_space<hbm>> -> memref<16x1024xf32, #tpu.memory_space<hbm>>
    %dma_wait3A_139 = arith.constant 0 : i32
    %dma_wait3A_140 = tpu.memref_slice %arg3[%add3A_82, %dma_wait3A_139] : memref<4096x1024xf32, #tpu.memory_space<hbm>> -> memref<16x1024xf32, #tpu.memory_space<hbm>>
    tpu.wait_dma2 semaphore(%arg18 : memref<!tpu.dma_semaphore, #tpu.memory_space<semaphore_mem>>) src(%arg6 : memref<16x1024xf32, #tpu.memory_space<vmem>>) dst(%dma_wait3A_140 : memref<16x1024xf32, #tpu.memory_space<hbm>>)
    %dma_wait3A_141 = arith.constant 0 : i32
    %dma_wait3A_142 = tpu.memref_slice %arg3[%add3A_92, %dma_wait3A_141] : memref<4096x1024xf32, #tpu.memory_space<hbm>> -> memref<16x1024xf32, #tpu.memory_space<hbm>>
    %dma_wait3A_143 = arith.constant 0 : i32
    %dma_wait3A_144 = tpu.memref_slice %arg3[%add3A_92, %dma_wait3A_143] : memref<4096x1024xf32, #tpu.memory_space<hbm>> -> memref<16x1024xf32, #tpu.memory_space<hbm>>
    tpu.wait_dma2 semaphore(%arg19 : memref<!tpu.dma_semaphore, #tpu.memory_space<semaphore_mem>>) src(%arg7 : memref<16x1024xf32, #tpu.memory_space<vmem>>) dst(%dma_wait3A_144 : memref<16x1024xf32, #tpu.memory_space<hbm>>)
    %dma_wait3A_145 = arith.constant 0 : i32
    %dma_wait3A_146 = tpu.memref_slice %arg3[%add3A_102, %dma_wait3A_145] : memref<4096x1024xf32, #tpu.memory_space<hbm>> -> memref<16x1024xf32, #tpu.memory_space<hbm>>
    %dma_wait3A_147 = arith.constant 0 : i32
    %dma_wait3A_148 = tpu.memref_slice %arg3[%add3A_102, %dma_wait3A_147] : memref<4096x1024xf32, #tpu.memory_space<hbm>> -> memref<16x1024xf32, #tpu.memory_space<hbm>>
    tpu.wait_dma2 semaphore(%arg20 : memref<!tpu.dma_semaphore, #tpu.memory_space<semaphore_mem>>) src(%arg8 : memref<16x1024xf32, #tpu.memory_space<vmem>>) dst(%dma_wait3A_148 : memref<16x1024xf32, #tpu.memory_space<hbm>>)
    %dma_wait3A_149 = arith.constant 0 : i32
    %dma_wait3A_150 = tpu.memref_slice %arg3[%add3A_112, %dma_wait3A_149] : memref<4096x1024xf32, #tpu.memory_space<hbm>> -> memref<16x1024xf32, #tpu.memory_space<hbm>>
    %dma_wait3A_151 = arith.constant 0 : i32
    %dma_wait3A_152 = tpu.memref_slice %arg3[%add3A_112, %dma_wait3A_151] : memref<4096x1024xf32, #tpu.memory_space<hbm>> -> memref<16x1024xf32, #tpu.memory_space<hbm>>
    tpu.wait_dma2 semaphore(%arg21 : memref<!tpu.dma_semaphore, #tpu.memory_space<semaphore_mem>>) src(%arg9 : memref<16x1024xf32, #tpu.memory_space<vmem>>) dst(%dma_wait3A_152 : memref<16x1024xf32, #tpu.memory_space<hbm>>)
    %dma_wait3A_153 = arith.constant 0 : i32
    %dma_wait3A_154 = tpu.memref_slice %arg3[%add3A_122, %dma_wait3A_153] : memref<4096x1024xf32, #tpu.memory_space<hbm>> -> memref<16x1024xf32, #tpu.memory_space<hbm>>
    %dma_wait3A_155 = arith.constant 0 : i32
    %dma_wait3A_156 = tpu.memref_slice %arg3[%add3A_122, %dma_wait3A_155] : memref<4096x1024xf32, #tpu.memory_space<hbm>> -> memref<16x1024xf32, #tpu.memory_space<hbm>>
    tpu.wait_dma2 semaphore(%arg16 : memref<!tpu.dma_semaphore, #tpu.memory_space<semaphore_mem>>) src(%arg4 : memref<16x1024xf32, #tpu.memory_space<vmem>>) dst(%dma_wait3A_156 : memref<16x1024xf32, #tpu.memory_space<hbm>>)
    %dma_wait3A_157 = arith.constant 0 : i32
    %dma_wait3A_158 = tpu.memref_slice %arg3[%add3A_132, %dma_wait3A_157] : memref<4096x1024xf32, #tpu.memory_space<hbm>> -> memref<16x1024xf32, #tpu.memory_space<hbm>>
    %dma_wait3A_159 = arith.constant 0 : i32
    %dma_wait3A_160 = tpu.memref_slice %arg3[%add3A_132, %dma_wait3A_159] : memref<4096x1024xf32, #tpu.memory_space<hbm>> -> memref<16x1024xf32, #tpu.memory_space<hbm>>
    tpu.wait_dma2 semaphore(%arg17 : memref<!tpu.dma_semaphore, #tpu.memory_space<semaphore_mem>>) src(%arg5 : memref<16x1024xf32, #tpu.memory_space<vmem>>) dst(%dma_wait3A_160 : memref<16x1024xf32, #tpu.memory_space<hbm>>)
    return
  }
}

</mosaic_0001>

<sc_bundles>
// kernel: kernel.3.cloned.1.call-start
scs
__scs_entry_jumppad:
0x0: {  	(pc) =	sbr.rel $0x88, $3  }
0x1: {  	(tag) =	ssettag $0x0;
	lr =	simm.s32 $0x1  }
0x2: {  	[smem:$0x3FA0] =	sst lr;
	_ =	strace $0xD0000000  }
0x3: {  	_ = 	snop  }
0x4: {  	_ = 	snop  }
0x5: {  	_ = 	snop  }
0x6: {  	_ = 	snop  }
0x7: {  	_ = 	snop  }
__scs_overlays_trampoline_lowered:
0x8: {  	[smem:$0x3FAF] =	sst s0  }
0x9: {  	[smem:$0x3FB0] =	sst s1  }
0xa: {  	[smem:$0x3FB1] =	sst s2  }
0xb: {  	[smem:$0x3FB2] =	sst s3  }
0xc: {  	[smem:$0x3FB3] =	sst s4  }
0xd: {  	[smem:$0x3FB4] =	sst s5  }
0xe: {  	[smem:$0x3FB5] =	sst s6  }
0xf: {  	[smem:$0x3FB6] =	sst s7  }
0x10: {  	[smem:$0x3FB7] =	sst s8  }
0x11: {  	[smem:$0x3FB8] =	sst s9;
	s0 =	simm.s32 @!p0 $0x0  }
0x12: {  	s1 =	sld [smem:$0x3F9E];
	s0 =	simm.s32 @p0 $0x1  }
0x13: {  	[smem:$0x3FB9] =	sst s0;
	s0 =	simm.s32 @!p1 $0x0  }
0x14: {  	s2 =	sld [smem:$0x3F9D];
	s0 =	simm.s32 @p1 $0x1  }
0x15: {  	[smem:$0x3FBA] =	sst s0;
	s0 =	simm.s32 @!p2 $0x0  }
0x16: {  	s3 =	sld [smem:$0x3FDB];
	s0 =	simm.s32 @p2 $0x1  }
0x17: {  	s4 =	simm.s32 $0x1BF5;
	[smem:$0x3FBC] =	sst s0  }
0x18: {  	s0 =	sld [smem:$0x3F9F];
	_ =	swait.ge [sflag:s4], $0x0  }
0x19: {  	s7 =	sld [smem:$0x3FA0]  }
0x1a: {  	s8 =	sadd.s32 $0xFFFFE003, lr  }
0x1b: {  	s9 =	sadd.s32 $0xFFFFFEF7, lr;
	s5 =	simm.s32 $0xFFFFFFFF;
	p2 =	slt.u32 s8, $0xFFFFF086  }
0x1c: {  	p1 =	slt.u32 s9, $0xF7A;
	s5 =	simm.s32 @!p2 $0x0  }
0x1d: {  	s5 =	simm.s32 @p1 $0x1;
	p0 =	seq.s32 s7, s2  }
0x1e: {  	s7 =	smul.u32 @!p0 $0xF7A, s2;
	p2 =	seq.s32 @!p0 s5, $0x0  }
0x1f: {  	s9 =	smul.u32 $0xF7A, s1;
	s8 =	simm.s32 @!p0 $0x1BF5;
	p2 =	por !p2, p0  }
0x20: {  	[sflag:s8] =	ssyncset.s32 @!p0 $0xFFFFF086;
	s6 =	sadd.s32 @!p0 s3, s7;
	s7 =	simm.s32 @!p0 $0x108  }
0x21: {  	s3 =	sadd.s32 s3, s9;
	s6 =	sadd.s32 @!p0 $0x88, s6;
	s7 =	simm.s32 @p2 $0x1082  }
0x22: {  	[simem:s7], [sflag:s8] =	dma.local @!p0 [hbm:s6], $0xF7A  }
0x23: {  	s9 =	sor.u32 $0xD0000000, s2;
	s6 =	simm.s32 $0x108;
	_ =	swait.ge @!p0 [sflag:s8], $0x0  }
0x24: {  	s3 =	sadd.s32 $0x88, s3;
	s6 =	simm.s32 @!p1 $0x1082;
	[sflag:s4] =	ssyncset.s32 $0xFFFFF086  }
0x25: {  	[simem:s6], [sflag:s4] =	dma.local [hbm:s3], $0xF7A  }
0x26: {  	[smem:$0x3FA0] =	sst s1;
	(tag) =	ssettag s2;
	_ =	strace s9  }
0x27: {  	s1 =	sld [smem:$0x3FB0]  }
0x28: {  	s2 =	sld [smem:$0x3FB1]  }
0x29: {  	s4 =	sld [smem:$0x3FB3]  }
0x2a: {  	p0 =	seq.s32 s5, $0x0;
	s5 =	sld [smem:$0x3FB4]  }
0x2b: {  	s6 =	sld [smem:$0x3FB5]  }
0x2c: {  	s7 =	sld [smem:$0x3FB6]  }
0x2d: {  	s3 =	simm.s32 $0x108;
	s8 =	sld [smem:$0x3FB7]  }
0x2e: {  	s3 =	simm.s32 @!p0 $0x1082;
	s9 =	sld [smem:$0x3FB8]  }
0x2f: {  	lr =	sadd.s32 s0, s3;
	s0 =	sld [smem:$0x3FAF]  }
0x30: {  	s3 =	sld [smem:$0x3FB2]  }
0x31: {  	[smem:$0x3FBB] =	sst s10  }
0x32: {  	s10 =	sld [smem:$0x3FB9];
	_ =	sdelay $0x3  }
0x33: {  	p0 =	seq.s32 s10, $0x1;
	s10 =	sld [smem:$0x3FBB];
	_ =	sdelay $0x3  }
0x34: {  	[smem:$0x3FBB] =	sst s10  }
0x35: {  	s10 =	sld [smem:$0x3FBA];
	_ =	sdelay $0x3  }
0x36: {  	p1 =	seq.s32 s10, $0x1;
	s10 =	sld [smem:$0x3FBB];
	_ =	sdelay $0x3  }
0x37: {  	[smem:$0x3FBB] =	sst s10  }
0x38: {  	s10 =	sld [smem:$0x3FBC]  }
0x39: {  	_ = 	snop;
	(pc) =	sbr.ind lr, $3  }
0x3a: {  	_ = 	snop  }
0x3b: {  	_ = 	snop  }
0x3c: {  	p2 =	seq.s32 s10, $0x1;
	s10 =	sld [smem:$0x3FBB]  }
0x3d: {  	_ =	shalt  }
0x3e: {  	_ =	shalt  }
0x3f: {  	_ =	shalt  }
0x40: {  	_ =	shalt  }
0x41: {  	_ =	shalt  }
0x42: {  	_ =	shalt  }
0x43: {  	_ =	shalt  }
0x44: {  	_ =	shalt  }
0x45: {  	_ =	shalt  }
0x46: {  	_ =	shalt  }
0x47: {  	_ =	shalt  }
0x48: {  	_ =	shalt  }
0x49: {  	_ =	shalt  }
0x4a: {  	_ =	shalt  }
0x4b: {  	_ =	shalt  }
0x4c: {  	_ =	shalt  }
0x4d: {  	_ =	shalt  }
0x4e: {  	_ =	shalt  }
0x4f: {  	_ =	shalt  }
0x50: {  	_ =	shalt  }
0x51: {  	_ =	shalt  }
0x52: {  	_ =	shalt  }
0x53: {  	_ =	shalt  }
0x54: {  	_ =	shalt  }
0x55: {  	_ =	shalt  }
0x56: {  	_ =	shalt  }
0x57: {  	_ =	shalt  }
0x58: {  	_ =	shalt  }
0x59: {  	_ =	shalt  }
0x5a: {  	_ =	shalt  }
0x5b: {  	_ =	shalt  }
0x5c: {  	_ =	shalt  }
0x5d: {  	_ =	shalt  }
0x5e: {  	_ =	shalt  }
0x5f: {  	_ =	shalt  }
0x60: {  	_ =	shalt  }
0x61: {  	_ =	shalt  }
0x62: {  	_ =	shalt  }
0x63: {  	_ =	shalt  }
0x64: {  	_ =	shalt  }
0x65: {  	_ =	shalt  }
0x66: {  	_ =	shalt  }
0x67: {  	_ =	shalt  }
0x68: {  	_ =	shalt  }
0x69: {  	_ =	shalt  }
0x6a: {  	_ =	shalt  }
0x6b: {  	_ =	shalt  }
0x6c: {  	_ =	shalt  }
0x6d: {  	_ =	shalt  }
0x6e: {  	_ =	shalt  }
0x6f: {  	_ =	shalt  }
0x70: {  	_ =	shalt  }
0x71: {  	_ =	shalt  }
0x72: {  	_ =	shalt  }
0x73: {  	_ =	shalt  }
0x74: {  	_ =	shalt  }
0x75: {  	_ =	shalt  }
0x76: {  	_ =	shalt  }
0x77: {  	_ =	shalt  }
0x78: {  	_ =	shalt  }
0x79: {  	_ =	shalt  }
0x7a: {  	_ =	shalt  }
0x7b: {  	_ =	shalt  }
0x7c: {  	_ =	shalt  }
0x7d: {  	_ =	shalt  }
0x7e: {  	_ =	shalt  }
0x7f: {  	_ =	shalt  }
0x80: {  	_ =	shalt  }
0x81: {  	_ =	shalt  }
0x82: {  	_ =	shalt  }
0x83: {  	_ =	shalt  }
0x84: {  	_ =	shalt  }
0x85: {  	_ =	shalt  }
0x86: {  	_ =	shalt  }
0x87: {  	_ =	shalt  }
.Lfunc_end0:
.L_simem_size_0:
called_computation_lowered:
.L_overlay_start_0:
0x88: {  	s2 =	sld [smem:$0x3FD9]  }
0x89: {  	s3 =	sld [smem:$0x3FFE];
	_ =	sdelay $0x1  }
0x8a: {  	s1 =	srdreg.scid  }
0x8b: {  	s0 =	sand.u32 $0x1, s1  }
0x8c: {  	s18 =	sshll.u32 s0, $0xA;
	s2 =	sadd.s32 s3, s2  }
0x8d: {  	s2 =	sadd.s32 s2, s18  }
0x8e: {  	[smem:$0x3FC7] =	sst s2  }
0x8f: {  	_ = 	snop  }
0x90: {  	s2 =	sld [smem:$0x3FC9]  }
0x91: {  	s19 =	sld [smem:$0x3FD0];
	(tm) =	ssettm $0x1  }
0x92: {  	s4 =	sld [smem:$0x3FFB];
	_ =	sdelay $0x3  }
0x93: {  	_ =	strace s4  }
0x94: {  	s4 =	sld [smem:$0x3FFC];
	_ =	sdelay $0x3  }
0x95: {  	_ =	strace s4  }
0x96: {  	s4 =	sld [smem:$0x3FFD];
	_ =	sdelay $0x3  }
0x97: {  	_ =	strace s4  }
0x98: {  	_ =	strace $0x8FFFFFFF  }
0x99: {  	s20 =	sld [smem:$0x3FDB];
	_ =	sdelay $0x1  }
0x9a: {  	s5 =	simm.s32 $_scs_section_size  }
0x9b: {  	s6 =	simm.s32 $_size__tile_overlayer_lowered;
	s7 =	simm.s32 $_tile_overlayer_lowered  }
0x9c: {  	s23 =	simm.s32 $0x1BFF;
	s22 =	sshll.u32 s7, $0x1;
	s4 =	sadd.s32 s5, s20  }
0x9d: {  	s8 =	simm.s32 $0x0;
	s21 =	sshll.u32 s6, $0x1;
	s6 =	sadd.s32 s22, s4  }
0x9e: {  	[timem:s8], [sflag:s23] =	dma.local [hbm:s6], s21  }
0x9f: {  	_ =	swait.ge [sflag:s23], s21  }
0xa0: {  	s5 =	ssub.s32 $0x0, s21;
	[sflag:s23] =	ssyncset.done $0x0  }
0xa1: {  	[sflag:s23] =	ssyncadd.s32 s5;
	_ =	sdelay $0x1  }
0xa2: {  	s24 =	simm.s32 $0x1B8B  }
0xa3: {  	_ =	swait.ge [sflag:s24], $0x1  }
0xa4: {  	[sflag:s24] =	ssyncset.done $0x0  }
0xa5: {  	s25 =	simm.s32 $0x1B8E;
	[sflag:s24] =	ssyncadd.s32 $0xFFFFFFFF  }
0xa6: {  	s26 =	simm.s32 $execute0_lowered;
	[smem:$0x3FD2] =	sst s25  }
0xa7: {  	s5 =	sshll.u32 s26, $0x1;
	_ =	strace $0x80000046;
	[dreg:$0x1] =	wrdreg $0xFFFFFFFF  }
0xa8: {  	s28 =	simm.s32 $_size_execute0_lowered;
	s4 =	sadd.s32 s4, s5;
	[dreg:$0x0] =	wrdreg $0x0  }
0xa9: {  	s5 =	sshll.u32 s28, $0x1;
	[dreg:$0x2] =	wrdreg s4  }
0xaa: {  	[dreg:$0x3] =	wrdreg s5  }
0xab: {  	[dreg:$0x4] =	wrdreg $0xC0  }
0xac: {  	_ =	task [dreg:s8], $0x5FFFF  }
0xad: {  	[dreg:$0x1] =	wrdreg $0xFFFFFFFF  }
0xae: {  	[dreg:$0x0] =	wrdreg $0x60  }
0xaf: {  	[dreg:$0x2] =	wrdreg s2  }
0xb0: {  	[dreg:$0x3] =	wrdreg s19  }
0xb1: {  	[dreg:$0x4] =	wrdreg $0x9  }
0xb2: {  	_ =	task.clear_ibuf [dreg:s8], $0x5FFFF;
	_ =	strace $0x90000046  }
0xb3: {  	s29 =	simm.s32 $0x9;
	_ =	strace $0x80000048  }
0xb4: {  	_ =	swait.ge [sflag:s29], $0x1  }
0xb5: {  	[sflag:s29] =	ssyncadd.s32 $0xFFFFFFFF  }
0xb6: {  	_ =	strace $0x90000048  }
0xb7: {  	_ =	sfence  }
0xb8: {  	s30 =	sld [smem:$0x0];
	_ =	sdelay $0x2  }
0xb9: {  	s31 =	sshll.u32 s1, $0xD;
	s1 =	sshrl.u32 s1, $0x2  }
0xba: {  	s3 =	sand.u32 $0x4000, s31;
	s1 =	sadd.s32 s1, s30  }
0xbb: {  	s0 =	sor.u32 s3, s0;
	s1 =	sshll.u32 s1, $0x11  }
0xbc: {  	s0 =	sor.u32 s1, s0  }
0xbd: {  	s0 =	sadd.s32 $0x8F2B, s0  }
0xbe: {  	[sflag:s0] =	ssyncadd.remote.s32 $0x1  }
0xbf: {  	_ =	sfence.sel $0xFFFF  }
0xc0: {  	[dreg:$0x0] =	wrdreg $0xFFFFFFFF;
	(pc) =	sbr.abs _section_cstart, $3  }
0xc1: {  	[dreg:$0x1] =	wrdreg $0xFFFFFFFF  }
0xc2: {  	_ =	task.clear_ibuf [dreg:s8], $0x2FFFF;
	_ =	strace $0x9FFFFFFF  }
0xc3: {  	(tm) =	ssettm $0x7FFFFFFF  }
tec
execute0_lowered:
.L_overlay_start_1:
0x0: {  	(tag) =	ssettag $0x1  }
0x1: {  	s16 =	rddreg [dreg:$0x0];
	s0 =	srdreg.scid  }
0x2: {  	s26 =	rddreg [dreg:$0x1];
	s1 =	stileid.u32;
	s0 =	sand.u32 $0x1, s0  }
0x3: {  	s2 =	simm.s32 $0x0;
	s4 =	sshll.u32 s1, $0xE;
	s3 =	sshll.u32 s0, $0x12  }
0x4: {  	[smem:$0x7FF] =	sst s2;
	s17 =	sor.u32 s4, s3  }
0x5: {  	_ =	strace $0x80000047;
	s3 =	sadd.s32 s16, s17;
	s14 =	sor.u32 $0x800, s17  }
0x6: {  	s18 =	sor.u32 $0x1000, s17;
	[dreg:$0x3] =	wrdreg s3;
	s10 =	sadd.s32 s16, s14  }
0x7: {  	s20 =	sor.u32 $0x1800, s17;
	s11 =	sadd.s32 s16, s18;
	[dreg:$0x4] =	wrdreg s10  }
0x8: {  	s12 =	sadd.s32 s16, s20;
	[dreg:$0x5] =	wrdreg s11  }
0x9: {  	s22 =	sor.u32 $0x2000, s17;
	[dreg:$0x6] =	wrdreg s12  }
0xa: {  	s13 =	sadd.s32 s16, s22;
	s15 =	rddreg [dreg:$0x3]  }
0xb: {  	[dreg:$0x7] =	wrdreg s13  }
0xc: {  	[tilespmem:s2], [sflag:$0x1] =	stream.linear.gather [hbm4b:s15+s2], $0x4000, $0x38;
	[tilespmem:$0x18000] =	vst v63  }
0xd: {  	s3 =	simm.s32 $0x4000;
	s5 =	rddreg [dreg:$0x4]  }
0xe: {  	[tilespmem:s3], [sflag:$0x2] =	stream.linear.gather [hbm4b:s5+s2], $0x4000, $0x38;
	[tilespmem:$0x18000] =	vst v63  }
0xf: {  	s19 =	simm.s32 $0x8000;
	s6 =	rddreg [dreg:$0x5]  }
0x10: {  	[tilespmem:s19], [sflag:$0x3] =	stream.linear.gather [hbm4b:s6+s2], $0x4000, $0x38;
	[tilespmem:$0x18000] =	vst v63  }
0x11: {  	s21 =	simm.s32 $0xC000;
	s7 =	rddreg [dreg:$0x6]  }
0x12: {  	[tilespmem:s21], [sflag:$0x4] =	stream.linear.gather [hbm4b:s7+s2], $0x4000, $0x38;
	[tilespmem:$0x18000] =	vst v63  }
0x13: {  	s23 =	simm.s32 $0x10000;
	s24 =	sor.u32 $0x2800, s17;
	s8 =	rddreg [dreg:$0x7]  }
0x14: {  	[tilespmem:s23], [sflag:$0x5] =	stream.linear.gather [hbm4b:s8+s2], $0x4000, $0x38;
	[tilespmem:$0x18000] =	vst v63  }
0x15: {  	s9 =	simm.s32 $0x1;
	s7 =	sadd.s32 s16, s24;
	s8 =	simm.s32 $0x14000  }
0x16: {  	[tilespmem:s8], [sflag:$0x6] =	stream.linear.gather [hbm4b:s7+s2], $0x4000, $0x38;
	[tilespmem:$0x18000] =	vst v63  }
0x17: {  	_ =	swait.ge [sflag:s9], $0x4000  }
0x18: {  	[sflag:s9] =	ssyncset.done $0x0  }
0x19: {  	s10 =	sadd.s32 s26, s17;
	s11 =	simm.s32 $0x7;
	[sflag:s9] =	ssyncadd.s32 $0xFFFFC000  }
0x1a: {  	[hbm4b:s10+s2] =	stream.linear.scatter [tilespmem:s2], [sflag:$0x7], $0x4000, $0x38;
	[tilespmem:$0x18000] =	vst v63  }
0x1b: {  	_ =	swait.ge [sflag:s11], $0x4000  }
0x1c: {  	s25 =	sor.u32 $0x3000, s17;
	[sflag:s11] =	ssyncset.done $0x0  }
0x1d: {  	s12 =	sadd.s32 s16, s25;
	s13 =	simm.s32 $0x2;
	[sflag:s11] =	ssyncadd.s32 $0xFFFFC000  }
0x1e: {  	[tilespmem:s2], [sflag:$0x1] =	stream.linear.gather [hbm4b:s12+s2], $0x4000, $0x38;
	[tilespmem:$0x18000] =	vst v63  }
0x1f: {  	_ =	swait.ge [sflag:s13], $0x4000  }
0x20: {  	[sflag:s13] =	ssyncset.done $0x0  }
0x21: {  	s15 =	sadd.s32 s26, s14;
	s14 =	simm.s32 $0x8;
	[sflag:s13] =	ssyncadd.s32 $0xFFFFC000  }
0x22: {  	[hbm4b:s15+s2] =	stream.linear.scatter [tilespmem:s3], [sflag:$0x8], $0x4000, $0x38;
	[tilespmem:$0x18000] =	vst v63  }
0x23: {  	_ =	swait.ge [sflag:s14], $0x4000  }
0x24: {  	s28 =	sor.u32 $0x3800, s17;
	[sflag:s14] =	ssyncset.done $0x0  }
0x25: {  	s17 =	simm.s32 $0x3;
	s16 =	sadd.s32 s16, s28;
	[sflag:s14] =	ssyncadd.s32 $0xFFFFC000  }
0x26: {  	[tilespmem:s3], [sflag:$0x2] =	stream.linear.gather [hbm4b:s16+s2], $0x4000, $0x38;
	[tilespmem:$0x18000] =	vst v63  }
0x27: {  	_ =	swait.ge [sflag:s17], $0x4000  }
0x28: {  	[sflag:s17] =	ssyncset.done $0x0  }
0x29: {  	s18 =	sadd.s32 s26, s18;
	[sflag:s17] =	ssyncadd.s32 $0xFFFFC000  }
0x2a: {  	[hbm4b:s18+s2] =	stream.linear.scatter [tilespmem:s19], [sflag:$0x9], $0x4000, $0x38;
	[tilespmem:$0x18000] =	vst v63  }
0x2b: {  	s19 =	simm.s32 $0x4  }
0x2c: {  	_ =	swait.ge [sflag:s19], $0x4000  }
0x2d: {  	[sflag:s19] =	ssyncset.done $0x0  }
0x2e: {  	s20 =	sadd.s32 s26, s20;
	[sflag:s19] =	ssyncadd.s32 $0xFFFFC000  }
0x2f: {  	[hbm4b:s20+s2] =	stream.linear.scatter [tilespmem:s21], [sflag:$0xA], $0x4000, $0x38;
	[tilespmem:$0x18000] =	vst v63  }
0x30: {  	s21 =	simm.s32 $0x5  }
0x31: {  	_ =	swait.ge [sflag:s21], $0x4000  }
0x32: {  	[sflag:s21] =	ssyncset.done $0x0  }
0x33: {  	s22 =	sadd.s32 s26, s22;
	[sflag:s21] =	ssyncadd.s32 $0xFFFFC000  }
0x34: {  	[hbm4b:s22+s2] =	stream.linear.scatter [tilespmem:s23], [sflag:$0xB], $0x4000, $0x38;
	[tilespmem:$0x18000] =	vst v63  }
0x35: {  	s23 =	simm.s32 $0x6  }
0x36: {  	_ =	swait.ge [sflag:s23], $0x4000  }
0x37: {  	[sflag:s23] =	ssyncset.done $0x0  }
0x38: {  	s24 =	sadd.s32 s26, s24;
	[sflag:s23] =	ssyncadd.s32 $0xFFFFC000  }
0x39: {  	[hbm4b:s24+s2] =	stream.linear.scatter [tilespmem:s8], [sflag:$0xC], $0x4000, $0x38;
	[tilespmem:$0x18000] =	vst v63  }
0x3a: {  	_ =	swait.ge [sflag:s9], $0x4000  }
0x3b: {  	[sflag:s9] =	ssyncset.done $0x0  }
0x3c: {  	s25 =	sadd.s32 s26, s25;
	[sflag:s9] =	ssyncadd.s32 $0xFFFFC000  }
0x3d: {  	[hbm4b:s25+s2] =	stream.linear.scatter [tilespmem:s2], [sflag:$0x7], $0x4000, $0x38;
	[tilespmem:$0x18000] =	vst v63  }
0x3e: {  	_ =	swait.ge [sflag:s13], $0x4000  }
0x3f: {  	[sflag:s13] =	ssyncset.done $0x0  }
0x40: {  	s26 =	sadd.s32 s26, s28;
	s28 =	simm.s32 $0x9;
	[sflag:s13] =	ssyncadd.s32 $0xFFFFC000  }
0x41: {  	[hbm4b:s26+s2] =	stream.linear.scatter [tilespmem:s3], [sflag:$0x8], $0x4000, $0x38;
	[tilespmem:$0x18000] =	vst v63  }
0x42: {  	_ =	swait.ge [sflag:s28], $0x4000  }
0x43: {  	[sflag:s28] =	ssyncset.done $0x0  }
0x44: {  	s29 =	simm.s32 $0xA;
	[sflag:s28] =	ssyncadd.s32 $0xFFFFC000  }
0x45: {  	_ =	swait.ge [sflag:s29], $0x4000  }
0x46: {  	[sflag:s29] =	ssyncset.done $0x0  }
0x47: {  	s30 =	simm.s32 $0xB;
	[sflag:s29] =	ssyncadd.s32 $0xFFFFC000  }
0x48: {  	s0 =	ssub.s32 $0x2, s0;
	_ =	swait.ge [sflag:s30], $0x4000  }
0x49: {  	s6 =	sshrl.u32 s0, $0x1;
	[sflag:s30] =	ssyncset.done $0x0  }
0x4a: {  	s31 =	simm.s32 $0xC;
	s0 =	ssub.s32 s0, s6;
	[sflag:s30] =	ssyncadd.s32 $0xFFFFC000  }
0x4b: {  	s0 =	smax.u32 s0, $0x1;
	_ =	swait.ge [sflag:s31], $0x4000  }
0x4c: {  	p0 =	sne.s32 s0, $0x1;
	[sflag:s31] =	ssyncset.done $0x0  }
.Ltmp0:
0x4d: {  	[sflag:s31] =	ssyncadd.s32 $0xFFFFC000;
	(pc) =	sbr.rel @!p0 .LBB2_3-.Ltmp0, $4  }
0x4e: {  	_ =	swait.ge [sflag:s11], $0x4000  }
0x4f: {  	[sflag:s11] =	ssyncset.done $0x0  }
0x50: {  	[sflag:s11] =	ssyncadd.s32 $0xFFFFC000  }
0x51: {  	s0 =	sadd.s32 $0xFFFFFFFF, s0;
	_ =	swait.ge [sflag:s14], $0x4000  }
0x52: {  	s5 =	simm.s32 $0x8000;
	s6 =	simm.s32 $0xC000  }
.LBB2_2:
0x53: {  	[sflag:s14] =	ssyncset.done $0x0  }
0x54: {  	s1 =	rddreg [dreg:$0x3];
	[sflag:s14] =	ssyncadd.s32 $0xFFFFC000  }
0x55: {  	[tilespmem:s2], [sflag:$0x1] =	stream.linear.gather [hbm4b:s1+s2], $0x4000, $0x38;
	[tilespmem:$0x18000] =	vst v63  }
0x56: {  	s4 =	rddreg [dreg:$0x4]  }
0x57: {  	[tilespmem:s3], [sflag:$0x2] =	stream.linear.gather [hbm4b:s4+s2], $0x4000, $0x38;
	[tilespmem:$0x18000] =	vst v63  }
0x58: {  	s1 =	rddreg [dreg:$0x5]  }
0x59: {  	[tilespmem:s5], [sflag:$0x3] =	stream.linear.gather [hbm4b:s1+s2], $0x4000, $0x38;
	[tilespmem:$0x18000] =	vst v63  }
0x5a: {  	s4 =	rddreg [dreg:$0x6]  }
0x5b: {  	[tilespmem:s6], [sflag:$0x4] =	stream.linear.gather [hbm4b:s4+s2], $0x4000, $0x38;
	[tilespmem:$0x18000] =	vst v63  }
0x5c: {  	s1 =	rddreg [dreg:$0x7];
	s4 =	simm.s32 $0x10000  }
0x5d: {  	[tilespmem:s4], [sflag:$0x5] =	stream.linear.gather [hbm4b:s1+s2], $0x4000, $0x38;
	[tilespmem:$0x18000] =	vst v63  }
0x5e: {  	_ = 	snop  }
0x5f: {  	[tilespmem:s8], [sflag:$0x6] =	stream.linear.gather [hbm4b:s7+s2], $0x4000, $0x38;
	[tilespmem:$0x18000] =	vst v63  }
0x60: {  	_ =	swait.ge [sflag:s9], $0x4000  }
0x61: {  	[sflag:s9] =	ssyncset.done $0x0  }
0x62: {  	[sflag:s9] =	ssyncadd.s32 $0xFFFFC000  }
0x63: {  	[hbm4b:s10+s2] =	stream.linear.scatter [tilespmem:s2], [sflag:$0x7], $0x4000, $0x38;
	[tilespmem:$0x18000] =	vst v63  }
0x64: {  	_ =	swait.ge [sflag:s11], $0x4000  }
0x65: {  	[sflag:s11] =	ssyncset.done $0x0  }
0x66: {  	[sflag:s11] =	ssyncadd.s32 $0xFFFFC000  }
0x67: {  	[tilespmem:s2], [sflag:$0x1] =	stream.linear.gather [hbm4b:s12+s2], $0x4000, $0x38;
	[tilespmem:$0x18000] =	vst v63  }
0x68: {  	_ =	swait.ge [sflag:s13], $0x4000  }
0x69: {  	[sflag:s13] =	ssyncset.done $0x0  }
0x6a: {  	[sflag:s13] =	ssyncadd.s32 $0xFFFFC000  }
0x6b: {  	[hbm4b:s15+s2] =	stream.linear.scatter [tilespmem:s3], [sflag:$0x8], $0x4000, $0x38;
	[tilespmem:$0x18000] =	vst v63  }
0x6c: {  	_ =	swait.ge [sflag:s14], $0x4000  }
0x6d: {  	[sflag:s14] =	ssyncset.done $0x0  }
0x6e: {  	[sflag:s14] =	ssyncadd.s32 $0xFFFFC000  }
0x6f: {  	[tilespmem:s3], [sflag:$0x2] =	stream.linear.gather [hbm4b:s16+s2], $0x4000, $0x38;
	[tilespmem:$0x18000] =	vst v63  }
0x70: {  	_ =	swait.ge [sflag:s17], $0x4000  }
0x71: {  	[sflag:s17] =	ssyncset.done $0x0  }
0x72: {  	[sflag:s17] =	ssyncadd.s32 $0xFFFFC000  }
0x73: {  	[hbm4b:s18+s2] =	stream.linear.scatter [tilespmem:s5], [sflag:$0x9], $0x4000, $0x38;
	[tilespmem:$0x18000] =	vst v63  }
0x74: {  	_ =	swait.ge [sflag:s19], $0x4000  }
0x75: {  	[sflag:s19] =	ssyncset.done $0x0  }
0x76: {  	[sflag:s19] =	ssyncadd.s32 $0xFFFFC000  }
0x77: {  	[hbm4b:s20+s2] =	stream.linear.scatter [tilespmem:s6], [sflag:$0xA], $0x4000, $0x38;
	[tilespmem:$0x18000] =	vst v63  }
0x78: {  	_ =	swait.ge [sflag:s21], $0x4000  }
0x79: {  	[sflag:s21] =	ssyncset.done $0x0  }
0x7a: {  	[sflag:s21] =	ssyncadd.s32 $0xFFFFC000  }
0x7b: {  	[hbm4b:s22+s2] =	stream.linear.scatter [tilespmem:s4], [sflag:$0xB], $0x4000, $0x38;
	[tilespmem:$0x18000] =	vst v63  }
0x7c: {  	_ =	swait.ge [sflag:s23], $0x4000  }
0x7d: {  	[sflag:s23] =	ssyncset.done $0x0  }
0x7e: {  	[sflag:s23] =	ssyncadd.s32 $0xFFFFC000  }
0x7f: {  	[hbm4b:s24+s2] =	stream.linear.scatter [tilespmem:s8], [sflag:$0xC], $0x4000, $0x38;
	[tilespmem:$0x18000] =	vst v63  }
0x80: {  	_ =	swait.ge [sflag:s9], $0x4000  }
0x81: {  	[sflag:s9] =	ssyncset.done $0x0  }
0x82: {  	[sflag:s9] =	ssyncadd.s32 $0xFFFFC000  }
0x83: {  	[hbm4b:s25+s2] =	stream.linear.scatter [tilespmem:s2], [sflag:$0x7], $0x4000, $0x38;
	[tilespmem:$0x18000] =	vst v63  }
0x84: {  	_ =	swait.ge [sflag:s13], $0x4000  }
0x85: {  	[sflag:s13] =	ssyncset.done $0x0  }
0x86: {  	[sflag:s13] =	ssyncadd.s32 $0xFFFFC000  }
0x87: {  	[hbm4b:s26+s2] =	stream.linear.scatter [tilespmem:s3], [sflag:$0x8], $0x4000, $0x38;
	[tilespmem:$0x18000] =	vst v63  }
0x88: {  	_ =	swait.ge [sflag:s28], $0x4000  }
0x89: {  	[sflag:s28] =	ssyncset.done $0x0  }
0x8a: {  	[sflag:s28] =	ssyncadd.s32 $0xFFFFC000  }
0x8b: {  	_ =	swait.ge [sflag:s29], $0x4000  }
0x8c: {  	[sflag:s29] =	ssyncset.done $0x0  }
0x8d: {  	[sflag:s29] =	ssyncadd.s32 $0xFFFFC000  }
0x8e: {  	_ =	swait.ge [sflag:s30], $0x4000  }
0x8f: {  	[sflag:s30] =	ssyncset.done $0x0  }
0x90: {  	[sflag:s30] =	ssyncadd.s32 $0xFFFFC000  }
0x91: {  	_ =	swait.ge [sflag:s31], $0x4000  }
0x92: {  	p0 =	sne.s32 s0, $0x1;
	[sflag:s31] =	ssyncset.done $0x0  }
.Ltmp1:
0x93: {  	[sflag:s31] =	ssyncadd.s32 $0xFFFFC000;
	(pc) =	sbr.rel @p0 .LBB2_2-.Ltmp1, $4  }
0x94: {  	_ =	swait.ge [sflag:s11], $0x4000  }
0x95: {  	[sflag:s11] =	ssyncset.done $0x0  }
0x96: {  	[sflag:s11] =	ssyncadd.s32 $0xFFFFC000  }
0x97: {  	s0 =	sadd.s32 $0xFFFFFFFF, s0;
	_ =	swait.ge [sflag:s14], $0x4000  }
.LBB2_3:
0x98: {  	[sflag:s14] =	ssyncset.done $0x0  }
0x99: {  	[sflag:s14] =	ssyncadd.s32 $0xFFFFC000  }
0x9a: {  	_ =	sfence.sel $0x180000  }
0x9b: {  	[bflag:$0x0] =	sbarrier.arrive $0xFFFF  }
0x9c: {  	_ =	strace $0x90000047  }
0x9d: {  	s0 =	stileid.u32;
	[bflag:$0x2] =	sbarrier.arrive $0xFFFF  }
0x9e: {  	p0 =	sne.s32 s0, $0x0;
	s0 =	rddreg [dreg:$0x2]  }
0x9f: {  	s0 =	sadd.s32 @!p0 $0x100000, s0  }
0xa0: {  	[sflag:s0] =	ssyncadd.tile.s32 @!p0 $0x1;
	_ =	shalt  }
.Lfunc_end2:
_tile_overlayer_lowered:
.L_overlay_start_2:
0xa1: {  	(tag) =	ssettag $0x2  }
0xa2: {  	s0 =	rddreg [dreg:$0x0];
	s2 =	stileid.u32  }
0xa3: {  	s1 =	rddreg [dreg:$0x1];
	p0 =	sne.s32 s2, $0x0  }
0xa4: {  	s3 =	rddreg [dreg:$0x2];
	[bflag:$0x3] =	sbarrier.arrive $0xFFFF;
	s2 =	simm.s32 @!p0 $0x1C0D  }
0xa5: {  	[timem:s3], [sflag:s2] =	dma.local @!p0 [hbm:s0], s1  }
0xa6: {  	s0 =	simm.s32 @!p0 $0xD  }
0xa7: {  	_ =	swait.ge @!p0 [sflag:s0], s1  }
0xa8: {  	s1 =	ssub.s32 @!p0 $0x0, s1;
	[sflag:s0] =	ssyncset.done @!p0 $0x0  }
0xa9: {  	[sflag:s0] =	ssyncadd.s32 @!p0 s1  }
0xaa: {  	[bflag:$0x3] =	sbarrier.arrive $0xFFFF  }
0xab: {  	_ =	shalt  }

</sc_bundles>
